<compile_context>
chip_gen: v7x
topology: tpu7x:2x2x1
jax: 0.10.2.dev20260603
libtpu: 0.0.44.dev20260713+nightly
codegen_flags: <defaults>
</compile_context>

<pallas_src>
import functools

import jax
import jax.numpy as jnp
from jax import lax
from jax.experimental import pallas as pl
from jax.experimental.pallas import tpu as pltpu
from jax.experimental.pallas import tpu_sc as plsc

_V = 1000000
_D = 64
_B = 16384
_L = 50
_CB = 8192
_GRID_T = -(-_V // _CB)
_TAIL = (_GRID_T - 1) * _CB


def _transpose_table(table):
    tt = table.T

    def body(in_ref, out_ref):
        j = pl.program_id(0)
        x = in_ref[...]

        @pl.when(j < _GRID_T - 1)
        def _main():
            y = jnp.concatenate([x[:, : _CB // 2], x[:, _CB // 2:]], axis=0)
            out_ref[...] = y.T

        @pl.when(j == _GRID_T - 1)
        def _tail():
            t3 = x.T.reshape(_CB // 2, 2, _D)
            out_ref[...] = jnp.concatenate([t3[:, 0, :], t3[:, 1, :]], axis=1)

    return pl.pallas_call(
        body,
        grid=(_GRID_T,),
        in_specs=[pl.BlockSpec((_D, _CB), lambda j: (0, j))],
        out_specs=pl.BlockSpec((_CB // 2, 128), lambda j: (j, 0)),
        out_shape=jax.ShapeDtypeStruct((_V // 2, 128), jnp.float32),
    )(tt)


def _sc_gather(table_lin, idx_lmajor):
    info = plsc.get_sparse_core_info()
    nc = info.num_cores
    nw = nc * info.num_subcores
    chunk = 1024
    njb = _B // chunk
    units_per_w = _L * njb // nw

    mesh = plsc.VectorSubcoreMesh(core_axis_name="c", subcore_axis_name="s")

    @functools.partial(
        pl.kernel,
        mesh=mesh,
        compiler_params=pltpu.CompilerParams(use_tc_tiling_on_sc=False),
        out_type=jax.ShapeDtypeStruct((_L // 2, _B, 128), jnp.float32),
        scratch_types=[
            pltpu.VMEM((chunk,), jnp.int32),
            pltpu.VMEM((chunk,), jnp.int32),
            pltpu.VMEM((chunk, _D), jnp.float32),
            pltpu.SemaphoreType.DMA,
        ],
    )
    def k(table_hbm, idx_hbm, out_hbm, raw_v, idx_v, rows_v, sem):
        wid = lax.axis_index("s") * nc + lax.axis_index("c")

        def body(i, carry):
            u = wid * units_per_w + i
            l = u // njb
            jb = u % njb
            pltpu.sync_copy(idx_hbm.at[pl.ds(l * _B + jb * chunk, chunk)], raw_v)

            def remap(t, c):
                v = raw_v[pl.ds(t * 16, 16)]
                main = (
                    (v & jnp.int32(-_CB))
                    | ((v & jnp.int32(_CB // 2 - 1)) << 1)
                    | (lax.shift_right_logical(v, 12) & jnp.int32(1))
                )
                idx_v[pl.ds(t * 16, 16)] = jnp.where(v >= _TAIL, v, main)
                return c

            lax.fori_loop(0, chunk // 16, remap, 0)
            pltpu.async_copy(table_hbm.at[idx_v], rows_v, sem).wait()
            pltpu.sync_copy(
                rows_v,
                out_hbm.at[l // 2, pl.ds(jb * chunk, chunk),
                           pl.ds((l % 2) * _D, _D)],
            )
            return carry

        lax.fori_loop(0, units_per_w, body, 0)

    return k(table_lin, idx_lmajor)


def _relayout_out(out3):
    bb = 8192

    def body(in_ref, out_ref):
        out_ref[...] = in_ref[0].T

    return pl.pallas_call(
        body,
        grid=(_L // 2, _B // bb),
        in_specs=[pl.BlockSpec((1, bb, 128), lambda q, j: (q, j, 0))],
        out_specs=pl.BlockSpec((128, bb), lambda q, j: (q, j)),
        out_shape=jax.ShapeDtypeStruct((_L * _D, _B), jnp.float32),
    )(out3)


def kernel(x, table):
    table_lin = _transpose_table(table).reshape(_V, _D)
    idx_lmajor = jnp.transpose(x).reshape(-1).astype(jnp.int32)
    out3 = _sc_gather(table_lin, idx_lmajor)
    out = _relayout_out(out3)
    return jnp.transpose(out.reshape(_L, _D, _B), (2, 0, 1))

# --- scband reference (transcript-rebuilt; emitter-appended) ---
"""Pipeline reference for scband-embedder-82497731822123 (READ-ONLY COPY).

The authoritative reference and input builder live on the scoring server;
editing this copy changes nothing except your own understanding.
"""

import jax, jax.numpy as jnp
import numpy as np

VOCAB = 1000000
EMBED_DIM = 64
B = 16384
L = 50


def setup_inputs(seed: int = 0) -> dict:
    key = jax.random.key(seed)
    k_idx, k_tab = jax.random.split(key)
    x = jax.random.randint(k_idx, (B, L), 0, VOCAB, dtype=jnp.int64 if jax.config.jax_enable_x64 else jnp.int32)
    table = jax.random.normal(k_tab, (VOCAB, EMBED_DIM), dtype=jnp.float32)
    # padding_idx=0 -> row 0 is zeros, matching nn.Embedding(padding_idx=0)
    table = table.at[0].set(0.0)
    return {"x": x, "table": table}


def reference(x, table):
    # embedding lookup (dropout p=0.0 is identity)
    embedded = jnp.take(table, x, axis=0)
    return embedded

if __name__ == "__main__":
    import jax
    _d = setup_inputs()
    print(jax.jit(kernel)(*tuple(_d.values())))

</pallas_src>

<mosaic_0001>
#map = affine_map<(d0, d1) -> (0, 0)>
#map1 = affine_map<(d0, d1) -> (0)>
#map2 = affine_map<(d0, d1) -> (0, 0, 0)>
module attributes {stable_mosaic.version = 14 : i64} {
  func.func @k(%arg0: i32, %arg1: i32, %arg2: memref<1000000x64xf32, #tpu.memory_space<hbm>>, %arg3: memref<819200xi32, #tpu.memory_space<hbm>>, %arg4: memref<25x16384x128xf32, #tpu.memory_space<hbm>>, %arg5: memref<1024xi32, #tpu.memory_space<vmem>>, %arg6: memref<1024xi32, #tpu.memory_space<vmem>>, %arg7: memref<1024x64xf32, #tpu.memory_space<vmem>>, %arg8: memref<!tpu.dma_semaphore, #tpu.memory_space<semaphore_mem>>) attributes {dimension_semantics = [#tpu.dimension_semantics<core_parallel>, #tpu.dimension_semantics<subcore_parallel>], iteration_bounds = array<i64: 2, 16>, scalar_prefetch = 0 : i64, scratch_operands = 4 : i64, tpu.core_type = #tpu.core_type<sc_vector_subcore>, window_params = [{transform_indices = #map}, {transform_indices = #map1}, {transform_indices = #map2}]} {
    %mul3A = arith.constant 2 : i32
    %mul3A_0 = arith.muli %arg1, %mul3A : i32
    %add3A = arith.addi %mul3A_0, %arg0 : i32
    %scan3A = arith.constant 0 : i32
    %scan3A_1 = arith.constant 0 : i32
    %scan3A_2 = arith.constant 25 : i32
    %scan3A_3 = arith.addi %scan3A_1, %scan3A_2 : i32
    %scan3A_4 = arith.constant 1 : i32
    scf.for %scan3A_6 = %scan3A_1 to %scan3A_3 step %scan3A_4  : i32 {
      %mul3A_7 = arith.constant 25 : i32
      %mul3A_8 = arith.muli %add3A, %mul3A_7 : i32
      %add3A_9 = arith.addi %mul3A_8, %scan3A_6 : i32
      %jit3A = arith.constant 16 : i32
      %div3A = arith.divsi %add3A_9, %jit3A : i32
      %sign3A = arith.constant 0 : i32
      %sign3A_10 = arith.cmpi sgt, %add3A_9, %sign3A : i32
      %sign3A_11 = arith.extui %sign3A_10 : i1 to i32
      %sign3A_12 = arith.constant 0 : i32
      %sign3A_13 = arith.cmpi slt, %add3A_9, %sign3A_12 : i32
      %sign3A_14 = arith.extui %sign3A_13 : i1 to i32
      %sign3A_15 = arith.subi %sign3A_11, %sign3A_14 : i32
      %sign3A_16 = arith.constant 0 : i32
      %sign3A_17 = arith.cmpi sgt, %jit3A, %sign3A_16 : i32
      %sign3A_18 = arith.extui %sign3A_17 : i1 to i32
      %sign3A_19 = arith.constant 0 : i32
      %sign3A_20 = arith.cmpi slt, %jit3A, %sign3A_19 : i32
      %sign3A_21 = arith.extui %sign3A_20 : i1 to i32
      %sign3A_22 = arith.subi %sign3A_18, %sign3A_21 : i32
      %ne3A = arith.cmpi ne, %sign3A_15, %sign3A_22 : i32
      %rem3A = arith.remsi %add3A_9, %jit3A : i32
      %ne3A_23 = arith.constant 0 : i32
      %ne3A_24 = arith.cmpi ne, %rem3A, %ne3A_23 : i32
      %and3A = arith.andi %ne3A, %ne3A_24 : i1
      %sub3A = arith.constant 1 : i32
      %sub3A_25 = arith.subi %div3A, %sub3A : i32
      %select_n3A = arith.select %and3A, %sub3A_25, %div3A : i32
      %jit3A_26 = arith.constant 16 : i32
      %eq3A = arith.constant 0 : i32
      %eq3A_27 = arith.cmpi eq, %jit3A_26, %eq3A : i32
      %jit3A_28 = arith.constant 1 : i32
      %select_n3A_29 = arith.select %eq3A_27, %jit3A_28, %jit3A_26 : i32
      %rem3A_30 = arith.remsi %add3A_9, %select_n3A_29 : i32
      %ne3A_31 = arith.constant 0 : i32
      %ne3A_32 = arith.cmpi ne, %rem3A_30, %ne3A_31 : i32
      %lt3A = arith.constant 0 : i32
      %lt3A_33 = arith.cmpi slt, %rem3A_30, %lt3A : i32
      %lt3A_34 = arith.constant 0 : i32
      %lt3A_35 = arith.cmpi slt, %select_n3A_29, %lt3A_34 : i32
      %ne3A_36 = arith.xori %lt3A_33, %lt3A_35 : i1
      %and3A_37 = arith.andi %ne3A_36, %ne3A_32 : i1
      %add3A_38 = arith.addi %rem3A_30, %select_n3A_29 : i32
      %select_n3A_39 = arith.select %and3A_37, %add3A_38, %rem3A_30 : i32
      %mul3A_40 = arith.constant 16384 : i32
      %mul3A_41 = arith.muli %select_n3A, %mul3A_40 : i32
      %mul3A_42 = arith.constant 1024 : i32
      %mul3A_43 = arith.muli %select_n3A_39, %mul3A_42 : i32
      %add3A_44 = arith.addi %mul3A_41, %mul3A_43 : i32
      "tpu.region"() ({
        %run_scoped3A = tpu.sem_alloc : memref<!tpu.dma_semaphore, #tpu.memory_space<semaphore_mem>>
        %dma_start3A_99 = tpu.memref_slice %arg3[%add3A_44] : memref<819200xi32, #tpu.memory_space<hbm>> -> memref<1024xi32, #tpu.memory_space<hbm>>
        %dma_start3A_100 = tpu.memref_slice %arg3[%add3A_44] : memref<819200xi32, #tpu.memory_space<hbm>> -> memref<1024xi32, #tpu.memory_space<hbm>>
        tpu.enqueue_dma source(%dma_start3A_100 : memref<1024xi32, #tpu.memory_space<hbm>>) target(%arg5 : memref<1024xi32, #tpu.memory_space<vmem>>) target_semaphore(%run_scoped3A : memref<!tpu.dma_semaphore, #tpu.memory_space<semaphore_mem>>)
        %dma_wait3A_101 = tpu.memref_slice %arg3[%add3A_44] : memref<819200xi32, #tpu.memory_space<hbm>> -> memref<1024xi32, #tpu.memory_space<hbm>>
        %dma_wait3A_102 = tpu.memref_slice %arg3[%add3A_44] : memref<819200xi32, #tpu.memory_space<hbm>> -> memref<1024xi32, #tpu.memory_space<hbm>>
        tpu.wait_dma2 semaphore(%run_scoped3A : memref<!tpu.dma_semaphore, #tpu.memory_space<semaphore_mem>>) src(%dma_wait3A_102 : memref<1024xi32, #tpu.memory_space<hbm>>) dst(%arg5 : memref<1024xi32, #tpu.memory_space<vmem>>)
        tpu.yield
      }) : () -> ()
      %scan3A_45 = arith.constant 0 : i32
      %scan3A_46 = arith.constant 0 : i32
      %scan3A_47 = arith.constant 64 : i32
      %scan3A_48 = arith.addi %scan3A_46, %scan3A_47 : i32
      %scan3A_49 = arith.constant 1 : i32
      scf.for %scan3A_99 = %scan3A_46 to %scan3A_48 step %scan3A_49  : i32 {
        %mul3A_100 = arith.constant 16 : i32
        %mul3A_101 = arith.muli %scan3A_99, %mul3A_100 : i32
        %get3A = arith.index_cast %mul3A_101 : i32 to index
        %get3A_102 = tpu.vector_load %arg5[%get3A] {strides = array<i32>} : memref<1024xi32, #tpu.memory_space<vmem>>, vector<16xi32>,
        %get3A_103 = vector.shape_cast %get3A_102 : vector<16xi32> to vector<16xi32>
        %and3A_104 = arith.constant -8192 : i32
        %and3A_105 = vector.broadcast %and3A_104 : i32 to vector<16xi32>
        %and3A_106 = arith.andi %get3A_103, %and3A_105 : vector<16xi32>
        %and3A_107 = arith.constant 4095 : i32
        %and3A_108 = vector.broadcast %and3A_107 : i32 to vector<16xi32>
        %and3A_109 = arith.andi %get3A_103, %and3A_108 : vector<16xi32>
        %shift_left3A = arith.constant 1 : i32
        %shift_left3A_110 = vector.broadcast %shift_left3A : i32 to vector<16xi32>
        %shift_left3A_111 = arith.shli %and3A_109, %shift_left3A_110 : vector<16xi32>
        %or3A = arith.ori %and3A_106, %shift_left3A_111 : vector<16xi32>
        %shift_right_logical3A = arith.constant 12 : i32
        %shift_right_logical3A_112 = vector.broadcast %shift_right_logical3A : i32 to vector<16xi32>
        %shift_right_logical3A_113 = arith.shrui %get3A_103, %shift_right_logical3A_112 : vector<16xi32>
        %and3A_114 = arith.constant 1 : i32
        %and3A_115 = vector.broadcast %and3A_114 : i32 to vector<16xi32>
        %and3A_116 = arith.andi %shift_right_logical3A_113, %and3A_115 : vector<16xi32>
        %or3A_117 = arith.ori %or3A, %and3A_116 : vector<16xi32>
        %ge3A = arith.constant 999424 : i32
        %ge3A_118 = vector.broadcast %ge3A : i32 to vector<16xi32>
        %ge3A_119 = arith.cmpi sge, %get3A_103, %ge3A_118 : vector<16xi32>
        %select_n3A_120 = arith.select %ge3A_119, %get3A_103, %or3A_117 : vector<16xi1>, vector<16xi32>
        %mul3A_121 = arith.constant 16 : i32
        %mul3A_122 = arith.muli %scan3A_99, %mul3A_121 : i32
        %swap3A = arith.index_cast %mul3A_122 : i32 to index
        %swap3A_123 = tpu.vector_load %arg6[%swap3A] {strides = array<i32>} : memref<1024xi32, #tpu.memory_space<vmem>>, vector<16xi32>,
        %swap3A_124 = vector.shape_cast %swap3A_123 : vector<16xi32> to vector<16xi32>
        %swap3A_125 = vector.shape_cast %select_n3A_120 : vector<16xi32> to vector<16xi32>
        tpu.vector_store %arg6[%swap3A], %swap3A_125 {strides = array<i32>} : memref<1024xi32, #tpu.memory_space<vmem>>, vector<16xi32>,
      }
      %scan3A_50 = arith.constant 64 : i32
      %dma_start3A = arith.constant 0 : i32
      %dma_start3A_51 = arith.constant 0 : i32
      %dma_start3A_52 = tpu.memref_slice %arg2[%dma_start3A, %dma_start3A_51] : memref<1000000x64xf32, #tpu.memory_space<hbm>> -> memref<1000000x64xf32, #tpu.memory_space<hbm>>
      tpu.enqueue_indirect_dma source(%dma_start3A_52 : memref<1000000x64xf32, #tpu.memory_space<hbm>>) target(%arg7 : memref<1024x64xf32, #tpu.memory_space<vmem>>) offsets(%arg6 : memref<1024xi32, #tpu.memory_space<vmem>>) semaphore(%arg8 : memref<!tpu.dma_semaphore, #tpu.memory_space<semaphore_mem>>)
      %dma_wait3A = arith.constant 0 : i32
      %dma_wait3A_53 = arith.constant 0 : i32
      %dma_wait3A_54 = tpu.memref_slice %arg2[%dma_wait3A, %dma_wait3A_53] : memref<1000000x64xf32, #tpu.memory_space<hbm>> -> memref<1000000x64xf32, #tpu.memory_space<hbm>>
      tpu.wait_indirect_dma semaphore(%arg8 : memref<!tpu.dma_semaphore, #tpu.memory_space<semaphore_mem>>) src(%dma_wait3A_54 : memref<1000000x64xf32, #tpu.memory_space<hbm>>) dst(%arg7 : memref<1024x64xf32, #tpu.memory_space<vmem>>)
      %jit3A_55 = arith.constant 2 : i32
      %div3A_56 = arith.divsi %select_n3A, %jit3A_55 : i32
      %sign3A_57 = arith.constant 0 : i32
      %sign3A_58 = arith.cmpi sgt, %select_n3A, %sign3A_57 : i32
      %sign3A_59 = arith.extui %sign3A_58 : i1 to i32
      %sign3A_60 = arith.constant 0 : i32
      %sign3A_61 = arith.cmpi slt, %select_n3A, %sign3A_60 : i32
      %sign3A_62 = arith.extui %sign3A_61 : i1 to i32
      %sign3A_63 = arith.subi %sign3A_59, %sign3A_62 : i32
      %sign3A_64 = arith.constant 0 : i32
      %sign3A_65 = arith.cmpi sgt, %jit3A_55, %sign3A_64 : i32
      %sign3A_66 = arith.extui %sign3A_65 : i1 to i32
      %sign3A_67 = arith.constant 0 : i32
      %sign3A_68 = arith.cmpi slt, %jit3A_55, %sign3A_67 : i32
      %sign3A_69 = arith.extui %sign3A_68 : i1 to i32
      %sign3A_70 = arith.subi %sign3A_66, %sign3A_69 : i32
      %ne3A_71 = arith.cmpi ne, %sign3A_63, %sign3A_70 : i32
      %rem3A_72 = arith.remsi %select_n3A, %jit3A_55 : i32
      %ne3A_73 = arith.constant 0 : i32
      %ne3A_74 = arith.cmpi ne, %rem3A_72, %ne3A_73 : i32
      %and3A_75 = arith.andi %ne3A_71, %ne3A_74 : i1
      %sub3A_76 = arith.constant 1 : i32
      %sub3A_77 = arith.subi %div3A_56, %sub3A_76 : i32
      %select_n3A_78 = arith.select %and3A_75, %sub3A_77, %div3A_56 : i32
      %mul3A_79 = arith.constant 1024 : i32
      %mul3A_80 = arith.muli %select_n3A_39, %mul3A_79 : i32
      %jit3A_81 = arith.constant 2 : i32
      %eq3A_82 = arith.constant 0 : i32
      %eq3A_83 = arith.cmpi eq, %jit3A_81, %eq3A_82 : i32
      %jit3A_84 = arith.constant 1 : i32
      %select_n3A_85 = arith.select %eq3A_83, %jit3A_84, %jit3A_81 : i32
      %rem3A_86 = arith.remsi %select_n3A, %select_n3A_85 : i32
      %ne3A_87 = arith.constant 0 : i32
      %ne3A_88 = arith.cmpi ne, %rem3A_86, %ne3A_87 : i32
      %lt3A_89 = arith.constant 0 : i32
      %lt3A_90 = arith.cmpi slt, %rem3A_86, %lt3A_89 : i32
      %lt3A_91 = arith.constant 0 : i32
      %lt3A_92 = arith.cmpi slt, %select_n3A_85, %lt3A_91 : i32
      %ne3A_93 = arith.xori %lt3A_90, %lt3A_92 : i1
      %and3A_94 = arith.andi %ne3A_93, %ne3A_88 : i1
      %add3A_95 = arith.addi %rem3A_86, %select_n3A_85 : i32
      %select_n3A_96 = arith.select %and3A_94, %add3A_95, %rem3A_86 : i32
      %mul3A_97 = arith.constant 64 : i32
      %mul3A_98 = arith.muli %select_n3A_96, %mul3A_97 : i32
      "tpu.region"() ({
        %run_scoped3A = tpu.sem_alloc : memref<!tpu.dma_semaphore, #tpu.memory_space<semaphore_mem>>
        %dma_start3A_99 = tpu.memref_slice %arg4[%select_n3A_78, %mul3A_80, %mul3A_98] : memref<25x16384x128xf32, #tpu.memory_space<hbm>> -> memref<1x1024x64xf32, #tpu.memory_space<hbm>>
        %dma_start3A_100 = tpu.memref_squeeze %dma_start3A_99 : memref<1x1024x64xf32, #tpu.memory_space<hbm>> -> memref<1024x64xf32, #tpu.memory_space<hbm>>
        %dma_start3A_101 = tpu.memref_slice %arg4[%select_n3A_78, %mul3A_80, %mul3A_98] : memref<25x16384x128xf32, #tpu.memory_space<hbm>> -> memref<1x1024x64xf32, #tpu.memory_space<hbm>>
        %dma_start3A_102 = tpu.memref_squeeze %dma_start3A_101 : memref<1x1024x64xf32, #tpu.memory_space<hbm>> -> memref<1024x64xf32, #tpu.memory_space<hbm>>
        tpu.enqueue_dma source(%arg7 : memref<1024x64xf32, #tpu.memory_space<vmem>>) target(%dma_start3A_102 : memref<1024x64xf32, #tpu.memory_space<hbm>>) target_semaphore(%run_scoped3A : memref<!tpu.dma_semaphore, #tpu.memory_space<semaphore_mem>>)
        %dma_wait3A_103 = tpu.memref_slice %arg4[%select_n3A_78, %mul3A_80, %mul3A_98] : memref<25x16384x128xf32, #tpu.memory_space<hbm>> -> memref<1x1024x64xf32, #tpu.memory_space<hbm>>
        %dma_wait3A_104 = tpu.memref_squeeze %dma_wait3A_103 : memref<1x1024x64xf32, #tpu.memory_space<hbm>> -> memref<1024x64xf32, #tpu.memory_space<hbm>>
        %dma_wait3A_105 = tpu.memref_slice %arg4[%select_n3A_78, %mul3A_80, %mul3A_98] : memref<25x16384x128xf32, #tpu.memory_space<hbm>> -> memref<1x1024x64xf32, #tpu.memory_space<hbm>>
        %dma_wait3A_106 = tpu.memref_squeeze %dma_wait3A_105 : memref<1x1024x64xf32, #tpu.memory_space<hbm>> -> memref<1024x64xf32, #tpu.memory_space<hbm>>
        tpu.wait_dma2 semaphore(%run_scoped3A : memref<!tpu.dma_semaphore, #tpu.memory_space<semaphore_mem>>) src(%arg7 : memref<1024x64xf32, #tpu.memory_space<vmem>>) dst(%dma_wait3A_106 : memref<1024x64xf32, #tpu.memory_space<hbm>>)
        tpu.yield
      }) : () -> ()
    }
    %scan3A_5 = arith.constant 25 : i32
    return
  }
}

module attributes {stable_mosaic.version = 14 : i64} {
  func.func @body(%arg0: i32, %arg1: i32, %arg2: memref<1x8192x128xf32, #tpu.memory_space<vmem>>, %arg3: memref<128x8192xf32, #tpu.memory_space<vmem>>) attributes {dimension_semantics = [#tpu.dimension_semantics<arbitrary>, #tpu.dimension_semantics<arbitrary>], iteration_bounds = array<i64: 25, 2>, scalar_prefetch = 0 : i64, scratch_operands = 0 : i64, tpu.core_type = #tpu.core_type<tc>, window_params = [{transform_indices = @transform_0, window_bounds = array<i64: 1, 8192, 128>}, {transform_indices = @transform_1, window_bounds = array<i64: 128, 8192>}]} {
    %get3A = arith.constant 0 : index
    %get3A_0 = arith.constant 0 : index
    %get3A_1 = arith.constant 0 : index
    %get3A_2 = vector.load %arg2[%get3A, %get3A_0, %get3A_1] : memref<1x8192x128xf32, #tpu.memory_space<vmem>>, vector<1x8192x128xf32>
    %get3A_3 = vector.shape_cast %get3A_2 : vector<1x8192x128xf32> to vector<8192x128xf32>
    %transpose3A = tpu.transpose %get3A_3, [1, 0] : vector<8192x128xf32> -> vector<128x8192xf32>
    %swap3A = arith.constant 0 : index
    %swap3A_4 = arith.constant 0 : index
    %swap3A_5 = vector.load %arg3[%swap3A, %swap3A_4] : memref<128x8192xf32, #tpu.memory_space<vmem>>, vector<128x8192xf32>
    tpu.vector_store %arg3[%swap3A, %swap3A_4], %transpose3A {strides = array<i32>} : memref<128x8192xf32, #tpu.memory_space<vmem>>, vector<128x8192xf32>,
    return
  }
  func.func @transform_0(%arg0: i32, %arg1: i32) -> (i32, i32, i32) {
    %c0_i32 = arith.constant 0 : i32
    %c0_i32_0 = arith.constant 0 : i32
    return %arg0, %arg1, %c0_i32 : i32, i32, i32
  }
  func.func @transform_1(%arg0: i32, %arg1: i32) -> (i32, i32) {
    %c0_i32 = arith.constant 0 : i32
    return %arg0, %arg1 : i32, i32
  }
}

module attributes {stable_mosaic.version = 14 : i64} {
  func.func @body(%arg0: i32, %arg1: memref<64x8192xf32, #tpu.memory_space<vmem>>, %arg2: memref<4096x128xf32, #tpu.memory_space<vmem>>) attributes {dimension_semantics = [#tpu.dimension_semantics<arbitrary>], iteration_bounds = array<i64: 123>, scalar_prefetch = 0 : i64, scratch_operands = 0 : i64, tpu.core_type = #tpu.core_type<tc>, window_params = [{transform_indices = @transform_0, window_bounds = array<i64: 64, 8192>}, {transform_indices = @transform_1, window_bounds = array<i64: 4096, 128>}]} {
    %get3A = arith.constant 0 : index
    %get3A_0 = arith.constant 0 : index
    %get3A_1 = vector.load %arg1[%get3A, %get3A_0] : memref<64x8192xf32, #tpu.memory_space<vmem>>, vector<64x8192xf32>
    %lt3A = arith.constant 122 : i32
    %lt3A_2 = arith.cmpi slt, %arg0, %lt3A : i32
    %convert_element_type3A = arith.extui %lt3A_2 : i1 to i32
    %cond3A = arith.constant 0 : i32
    %cond3A_3 = arith.cmpi ne, %convert_element_type3A, %cond3A : i32
    scf.if %cond3A_3 {
      %slice3A = vector.extract_strided_slice %get3A_1 {offsets = [0, 0], sizes = [64, 4096], strides = [1, 1]} : vector<64x8192xf32> to vector<64x4096xf32>
      %slice3A_8 = vector.extract_strided_slice %get3A_1 {offsets = [0, 4096], sizes = [64, 4096], strides = [1, 1]} : vector<64x8192xf32> to vector<64x4096xf32>
      %concatenate3A = tpu.concatenate %slice3A, %slice3A_8 in 0 : vector<64x4096xf32>, vector<64x4096xf32> -> vector<128x4096xf32>
      %transpose3A = tpu.transpose %concatenate3A, [1, 0] : vector<128x4096xf32> -> vector<4096x128xf32>
      %swap3A = arith.constant 0 : index
      %swap3A_9 = arith.constant 0 : index
      %swap3A_10 = vector.load %arg2[%swap3A, %swap3A_9] : memref<4096x128xf32, #tpu.memory_space<vmem>>, vector<4096x128xf32>
      tpu.vector_store %arg2[%swap3A, %swap3A_9], %transpose3A {strides = array<i32>} : memref<4096x128xf32, #tpu.memory_space<vmem>>, vector<4096x128xf32>,
    } else {
    }
    %eq3A = arith.constant 122 : i32
    %eq3A_4 = arith.cmpi eq, %arg0, %eq3A : i32
    %convert_element_type3A_5 = arith.extui %eq3A_4 : i1 to i32
    %cond3A_6 = arith.constant 0 : i32
    %cond3A_7 = arith.cmpi ne, %convert_element_type3A_5, %cond3A_6 : i32
    scf.if %cond3A_7 {
      %transpose3A = tpu.transpose %get3A_1, [1, 0] : vector<64x8192xf32> -> vector<8192x64xf32>
      %reshape3A = vector.shape_cast %transpose3A : vector<8192x64xf32> to vector<4096x2x64xf32>
      %slice3A = vector.extract_strided_slice %reshape3A {offsets = [0, 0, 0], sizes = [4096, 1, 64], strides = [1, 1, 1]} : vector<4096x2x64xf32> to vector<4096x1x64xf32>
      %squeeze3A = vector.shape_cast %slice3A : vector<4096x1x64xf32> to vector<4096x64xf32>
      %slice3A_8 = vector.extract_strided_slice %reshape3A {offsets = [0, 1, 0], sizes = [4096, 1, 64], strides = [1, 1, 1]} : vector<4096x2x64xf32> to vector<4096x1x64xf32>
      %squeeze3A_9 = vector.shape_cast %slice3A_8 : vector<4096x1x64xf32> to vector<4096x64xf32>
      %concatenate3A = tpu.concatenate %squeeze3A, %squeeze3A_9 in 1 : vector<4096x64xf32>, vector<4096x64xf32> -> vector<4096x128xf32>
      %swap3A = arith.constant 0 : index
      %swap3A_10 = arith.constant 0 : index
      %swap3A_11 = vector.load %arg2[%swap3A, %swap3A_10] : memref<4096x128xf32, #tpu.memory_space<vmem>>, vector<4096x128xf32>
      tpu.vector_store %arg2[%swap3A, %swap3A_10], %concatenate3A {strides = array<i32>} : memref<4096x128xf32, #tpu.memory_space<vmem>>, vector<4096x128xf32>,
    } else {
    }
    return
  }
  func.func @transform_0(%arg0: i32) -> (i32, i32) {
    %c0_i32 = arith.constant 0 : i32
    %c0_i32_0 = arith.constant 0 : i32
    return %c0_i32, %arg0 : i32, i32
  }
  func.func @transform_1(%arg0: i32) -> (i32, i32) {
    %c0_i32 = arith.constant 0 : i32
    %c0_i32_0 = arith.constant 0 : i32
    return %arg0, %c0_i32 : i32, i32
  }
}

</mosaic_0001>

<sc_bundles>
// kernel: kernel.5.cloned.1.call-start
scs
__scs_entry_jumppad:
0x0: {  	(pc) =	sbr.rel $0x88, $3  }
0x1: {  	(tag) =	ssettag $0x0;
	lr =	simm.s32 $0x1  }
0x2: {  	[smem:$0x3F9F] =	sst lr;
	_ =	strace $0xD0000000  }
0x3: {  	_ = 	snop  }
0x4: {  	_ = 	snop  }
0x5: {  	_ = 	snop  }
0x6: {  	_ = 	snop  }
0x7: {  	_ = 	snop  }
__scs_overlays_trampoline_lowered:
0x8: {  	[smem:$0x3FAE] =	sst s0  }
0x9: {  	[smem:$0x3FAF] =	sst s1  }
0xa: {  	[smem:$0x3FB0] =	sst s2  }
0xb: {  	[smem:$0x3FB1] =	sst s3  }
0xc: {  	[smem:$0x3FB2] =	sst s4  }
0xd: {  	[smem:$0x3FB3] =	sst s5  }
0xe: {  	[smem:$0x3FB4] =	sst s6  }
0xf: {  	[smem:$0x3FB5] =	sst s7  }
0x10: {  	[smem:$0x3FB6] =	sst s8  }
0x11: {  	[smem:$0x3FB7] =	sst s9;
	s0 =	simm.s32 @!p0 $0x0  }
0x12: {  	s1 =	sld [smem:$0x3F9D];
	s0 =	simm.s32 @p0 $0x1  }
0x13: {  	[smem:$0x3FB8] =	sst s0;
	s0 =	simm.s32 @!p1 $0x0  }
0x14: {  	s2 =	sld [smem:$0x3F9C];
	s0 =	simm.s32 @p1 $0x1  }
0x15: {  	[smem:$0x3FB9] =	sst s0;
	s0 =	simm.s32 @!p2 $0x0  }
0x16: {  	s3 =	sld [smem:$0x3FDB];
	s0 =	simm.s32 @p2 $0x1  }
0x17: {  	s4 =	simm.s32 $0x1BF5;
	[smem:$0x3FBB] =	sst s0  }
0x18: {  	s0 =	sld [smem:$0x3F9E];
	_ =	swait.ge [sflag:s4], $0x0  }
0x19: {  	s7 =	sld [smem:$0x3F9F]  }
0x1a: {  	s8 =	sadd.s32 $0xFFFFE003, lr  }
0x1b: {  	s9 =	sadd.s32 $0xFFFFFEF7, lr;
	s5 =	simm.s32 $0xFFFFFFFF;
	p2 =	slt.u32 s8, $0xFFFFF086  }
0x1c: {  	p1 =	slt.u32 s9, $0xF7A;
	s5 =	simm.s32 @!p2 $0x0  }
0x1d: {  	s5 =	simm.s32 @p1 $0x1;
	p0 =	seq.s32 s7, s2  }
0x1e: {  	s7 =	smul.u32 @!p0 $0xF7A, s2;
	p2 =	seq.s32 @!p0 s5, $0x0  }
0x1f: {  	s9 =	smul.u32 $0xF7A, s1;
	s8 =	simm.s32 @!p0 $0x1BF5;
	p2 =	por !p2, p0  }
0x20: {  	[sflag:s8] =	ssyncset.s32 @!p0 $0xFFFFF086;
	s6 =	sadd.s32 @!p0 s3, s7;
	s7 =	simm.s32 @!p0 $0x108  }
0x21: {  	s3 =	sadd.s32 s3, s9;
	s6 =	sadd.s32 @!p0 $0x88, s6;
	s7 =	simm.s32 @p2 $0x1082  }
0x22: {  	[simem:s7], [sflag:s8] =	dma.local @!p0 [hbm:s6], $0xF7A  }
0x23: {  	s9 =	sor.u32 $0xD0000000, s2;
	s6 =	simm.s32 $0x108;
	_ =	swait.ge @!p0 [sflag:s8], $0x0  }
0x24: {  	s3 =	sadd.s32 $0x88, s3;
	s6 =	simm.s32 @!p1 $0x1082;
	[sflag:s4] =	ssyncset.s32 $0xFFFFF086  }
0x25: {  	[simem:s6], [sflag:s4] =	dma.local [hbm:s3], $0xF7A  }
0x26: {  	[smem:$0x3F9F] =	sst s1;
	(tag) =	ssettag s2;
	_ =	strace s9  }
0x27: {  	s1 =	sld [smem:$0x3FAF]  }
0x28: {  	s2 =	sld [smem:$0x3FB0]  }
0x29: {  	s4 =	sld [smem:$0x3FB2]  }
0x2a: {  	p0 =	seq.s32 s5, $0x0;
	s5 =	sld [smem:$0x3FB3]  }
0x2b: {  	s6 =	sld [smem:$0x3FB4]  }
0x2c: {  	s7 =	sld [smem:$0x3FB5]  }
0x2d: {  	s3 =	simm.s32 $0x108;
	s8 =	sld [smem:$0x3FB6]  }
0x2e: {  	s3 =	simm.s32 @!p0 $0x1082;
	s9 =	sld [smem:$0x3FB7]  }
0x2f: {  	lr =	sadd.s32 s0, s3;
	s0 =	sld [smem:$0x3FAE]  }
0x30: {  	s3 =	sld [smem:$0x3FB1]  }
0x31: {  	[smem:$0x3FBA] =	sst s10  }
0x32: {  	s10 =	sld [smem:$0x3FB8];
	_ =	sdelay $0x3  }
0x33: {  	p0 =	seq.s32 s10, $0x1;
	s10 =	sld [smem:$0x3FBA];
	_ =	sdelay $0x3  }
0x34: {  	[smem:$0x3FBA] =	sst s10  }
0x35: {  	s10 =	sld [smem:$0x3FB9];
	_ =	sdelay $0x3  }
0x36: {  	p1 =	seq.s32 s10, $0x1;
	s10 =	sld [smem:$0x3FBA];
	_ =	sdelay $0x3  }
0x37: {  	[smem:$0x3FBA] =	sst s10  }
0x38: {  	s10 =	sld [smem:$0x3FBB]  }
0x39: {  	_ = 	snop;
	(pc) =	sbr.ind lr, $3  }
0x3a: {  	_ = 	snop  }
0x3b: {  	_ = 	snop  }
0x3c: {  	p2 =	seq.s32 s10, $0x1;
	s10 =	sld [smem:$0x3FBA]  }
0x3d: {  	_ =	shalt  }
0x3e: {  	_ =	shalt  }
0x3f: {  	_ =	shalt  }
0x40: {  	_ =	shalt  }
0x41: {  	_ =	shalt  }
0x42: {  	_ =	shalt  }
0x43: {  	_ =	shalt  }
0x44: {  	_ =	shalt  }
0x45: {  	_ =	shalt  }
0x46: {  	_ =	shalt  }
0x47: {  	_ =	shalt  }
0x48: {  	_ =	shalt  }
0x49: {  	_ =	shalt  }
0x4a: {  	_ =	shalt  }
0x4b: {  	_ =	shalt  }
0x4c: {  	_ =	shalt  }
0x4d: {  	_ =	shalt  }
0x4e: {  	_ =	shalt  }
0x4f: {  	_ =	shalt  }
0x50: {  	_ =	shalt  }
0x51: {  	_ =	shalt  }
0x52: {  	_ =	shalt  }
0x53: {  	_ =	shalt  }
0x54: {  	_ =	shalt  }
0x55: {  	_ =	shalt  }
0x56: {  	_ =	shalt  }
0x57: {  	_ =	shalt  }
0x58: {  	_ =	shalt  }
0x59: {  	_ =	shalt  }
0x5a: {  	_ =	shalt  }
0x5b: {  	_ =	shalt  }
0x5c: {  	_ =	shalt  }
0x5d: {  	_ =	shalt  }
0x5e: {  	_ =	shalt  }
0x5f: {  	_ =	shalt  }
0x60: {  	_ =	shalt  }
0x61: {  	_ =	shalt  }
0x62: {  	_ =	shalt  }
0x63: {  	_ =	shalt  }
0x64: {  	_ =	shalt  }
0x65: {  	_ =	shalt  }
0x66: {  	_ =	shalt  }
0x67: {  	_ =	shalt  }
0x68: {  	_ =	shalt  }
0x69: {  	_ =	shalt  }
0x6a: {  	_ =	shalt  }
0x6b: {  	_ =	shalt  }
0x6c: {  	_ =	shalt  }
0x6d: {  	_ =	shalt  }
0x6e: {  	_ =	shalt  }
0x6f: {  	_ =	shalt  }
0x70: {  	_ =	shalt  }
0x71: {  	_ =	shalt  }
0x72: {  	_ =	shalt  }
0x73: {  	_ =	shalt  }
0x74: {  	_ =	shalt  }
0x75: {  	_ =	shalt  }
0x76: {  	_ =	shalt  }
0x77: {  	_ =	shalt  }
0x78: {  	_ =	shalt  }
0x79: {  	_ =	shalt  }
0x7a: {  	_ =	shalt  }
0x7b: {  	_ =	shalt  }
0x7c: {  	_ =	shalt  }
0x7d: {  	_ =	shalt  }
0x7e: {  	_ =	shalt  }
0x7f: {  	_ =	shalt  }
0x80: {  	_ =	shalt  }
0x81: {  	_ =	shalt  }
0x82: {  	_ =	shalt  }
0x83: {  	_ =	shalt  }
0x84: {  	_ =	shalt  }
0x85: {  	_ =	shalt  }
0x86: {  	_ =	shalt  }
0x87: {  	_ =	shalt  }
.Lfunc_end0:
.L_simem_size_0:
called_computation_lowered:
.L_overlay_start_0:
0x88: {  	s2 =	sld [smem:$0x3FD9]  }
0x89: {  	s3 =	sld [smem:$0x3FFE];
	_ =	sdelay $0x1  }
0x8a: {  	s1 =	srdreg.scid  }
0x8b: {  	s0 =	sand.u32 $0x1, s1  }
0x8c: {  	s17 =	sshll.u32 s0, $0xA;
	s2 =	sadd.s32 s3, s2  }
0x8d: {  	s2 =	sadd.s32 s2, s17  }
0x8e: {  	[smem:$0x3FC6] =	sst s2  }
0x8f: {  	_ = 	snop  }
0x90: {  	s2 =	sld [smem:$0x3FD0];
	(tm) =	ssettm $0x1  }
0x91: {  	s18 =	sld [smem:$0x3FFB];
	_ =	sdelay $0x3  }
0x92: {  	_ =	strace s18  }
0x93: {  	s3 =	sld [smem:$0x3FFC];
	_ =	sdelay $0x3  }
0x94: {  	_ =	strace s3  }
0x95: {  	s3 =	sld [smem:$0x3FFD];
	_ =	sdelay $0x3  }
0x96: {  	_ =	strace s3  }
0x97: {  	_ =	strace $0x8FFFFFFF  }
0x98: {  	s19 =	sld [smem:$0x3FDB];
	_ =	sdelay $0x1  }
0x99: {  	s4 =	simm.s32 $_scs_section_size  }
0x9a: {  	s5 =	simm.s32 $_size__tile_overlayer_lowered;
	s6 =	simm.s32 $_tile_overlayer_lowered  }
0x9b: {  	s22 =	simm.s32 $0x1BFF;
	s21 =	sshll.u32 s6, $0x1;
	s3 =	sadd.s32 s4, s19  }
0x9c: {  	s7 =	simm.s32 $0x0;
	s20 =	sshll.u32 s5, $0x1;
	s5 =	sadd.s32 s21, s3  }
0x9d: {  	[timem:s7], [sflag:s22] =	dma.local [hbm:s5], s20  }
0x9e: {  	_ =	swait.ge [sflag:s22], s20  }
0x9f: {  	s4 =	ssub.s32 $0x0, s20;
	[sflag:s22] =	ssyncset.done $0x0  }
0xa0: {  	[sflag:s22] =	ssyncadd.s32 s4;
	_ =	sdelay $0x1  }
0xa1: {  	s23 =	simm.s32 $0x1B8B  }
0xa2: {  	_ =	swait.ge [sflag:s23], $0x1  }
0xa3: {  	[sflag:s23] =	ssyncset.done $0x0  }
0xa4: {  	s25 =	simm.s32 $0x1B8E;
	s24 =	sld [smem:$0x3FFE];
	[sflag:s23] =	ssyncadd.s32 $0xFFFFFFFF  }
0xa5: {  	s26 =	simm.s32 $execute0_lowered;
	[smem:$0x3FD2] =	sst s25  }
0xa6: {  	s5 =	sshll.u32 s26, $0x1;
	_ =	strace $0x80000046;
	[dreg:$0x1] =	wrdreg $0xFFFFFFFF  }
0xa7: {  	s28 =	simm.s32 $_size_execute0_lowered;
	s3 =	sadd.s32 s3, s5;
	[dreg:$0x0] =	wrdreg $0x0  }
0xa8: {  	s5 =	sshll.u32 s28, $0x1;
	[dreg:$0x2] =	wrdreg s3  }
0xa9: {  	[dreg:$0x3] =	wrdreg s5  }
0xaa: {  	[dreg:$0x4] =	wrdreg $0xC0  }
0xab: {  	_ =	task [dreg:s7], $0x5FFFF  }
0xac: {  	[dreg:$0x1] =	wrdreg $0xFFFFFFFF  }
0xad: {  	[dreg:$0x0] =	wrdreg $0x60  }
0xae: {  	[dreg:$0x2] =	wrdreg s24  }
0xaf: {  	[dreg:$0x3] =	wrdreg s2  }
0xb0: {  	[dreg:$0x4] =	wrdreg $0x9  }
0xb1: {  	_ =	task.clear_ibuf [dreg:s7], $0x5FFFF;
	_ =	strace $0x90000046  }
0xb2: {  	s29 =	simm.s32 $0x9;
	_ =	strace $0x80000048  }
0xb3: {  	_ =	swait.ge [sflag:s29], $0x1  }
0xb4: {  	[sflag:s29] =	ssyncadd.s32 $0xFFFFFFFF  }
0xb5: {  	_ =	strace $0x90000048  }
0xb6: {  	_ =	sfence  }
0xb7: {  	s30 =	sld [smem:$0x0];
	_ =	sdelay $0x2  }
0xb8: {  	s31 =	sshll.u32 s1, $0xD;
	s1 =	sshrl.u32 s1, $0x2  }
0xb9: {  	s3 =	sand.u32 $0x4000, s31;
	s1 =	sadd.s32 s1, s30  }
0xba: {  	s0 =	sor.u32 s3, s0;
	s1 =	sshll.u32 s1, $0x11  }
0xbb: {  	s0 =	sor.u32 s1, s0  }
0xbc: {  	s0 =	sadd.s32 $0x8F2B, s0  }
0xbd: {  	[sflag:s0] =	ssyncadd.remote.s32 $0x1  }
0xbe: {  	_ =	sfence.sel $0xFFFF  }
0xbf: {  	[dreg:$0x0] =	wrdreg $0xFFFFFFFF;
	(pc) =	sbr.abs _section_cstart, $3  }
0xc0: {  	[dreg:$0x1] =	wrdreg $0xFFFFFFFF  }
0xc1: {  	_ =	task.clear_ibuf [dreg:s7], $0x2FFFF;
	_ =	strace $0x9FFFFFFF  }
0xc2: {  	(tm) =	ssettm $0x7FFFFFFF  }
0xc3: {  	_ =	shalt  }
tec
execute0_lowered:
.L_overlay_start_1:
0x0: {  	(tag) =	ssettag $0x1  }
0x1: {  	s5 =	rddreg [dreg:$0x0]  }
0x2: {  	s1 =	rddreg [dreg:$0x1];
	s2 =	srdreg.scid  }
0x3: {  	s0 =	rddreg [dreg:$0x2];
	s3 =	simm.s32 $0x0;
	s10 =	simm.s32 $0x800  }
0x4: {  	s11 =	simm.s32 $0x1;
	s12 =	simm.s32 $0x40;
	s13 =	simm.s32 $0x80  }
0x5: {  	s6 =	sand.u32 $0x1, s2;
	[smem:$0x7FF] =	sst s3;
	s2 =	stileid.u32  }
0x6: {  	s4 =	sadd.s32 $0x400, s5;
	s5 =	sadd.s32 $0x7A1600, s5;
	s7 =	ssub.s32 $0x2, s6  }
0x7: {  	_ =	strace $0x80000047;
	s9 =	sshll.u32 s2, $0x1;
	s8 =	sshrl.u32 s7, $0x1  }
0x8: {  	s6 =	sor.u32 s6, s9;
	s9 =	simm.s32 $0x400;
	s7 =	ssub.s32 s7, s8  }
0x9: {  	s6 =	smul.u32 $0x19, s6;
	s8 =	simm.s32 $0x2;
	s7 =	smax.u32 s7, $0x1  }
.LBB2_1:
0xa: {  	s14 =	simm.s32 $0x0  }
.LBB2_2:
0xb: {  	s16 =	sadd.s32 s6, s14  }
0xc: {  	s15 =	sshrl.u32 s16, $0x4;
	s17 =	sshll.u32 s16, $0xA  }
0xd: {  	s17 =	sand.u32 $0x3C00, s17;
	s18 =	sshll.u32 s15, $0xE  }
0xe: {  	s18 =	sor.u32 s17, s18  }
0xf: {  	s18 =	sshrl.u32 s18, $0x3  }
0x10: {  	s19 =	simm.s32 $0x0;
	s18 =	sadd.s32 s1, s18  }
0x11: {  	[tilespmem:s19], [sflag:$0x2] =	stream.linear.gather [hbm4b:s18+s19], $0x400, $0x38;
	[tilespmem:$0x10800] =	vst v63  }
0x12: {  	_ =	swait.ge [sflag:s8], $0x400  }
0x13: {  	[sflag:s8] =	ssyncset.done $0x0  }
0x14: {  	s18 =	simm.s32 $0x0;
	[sflag:s8] =	ssyncadd.s32 $0xFFFFFC00  }
0x15: {  	v0 =	vld [tilespmem:s18+$0x0];
	_ =	sdelay $0x3  }
0x16: {  	s19 =	simm.s32 $0x40  }
.LBB2_3:
0x17: {  	s20 =	sshra.s32 s19, $0x2;
	p0 =	sne.s32 s19, $0xFC0;
	s19 =	sadd.s32 $0x40, s19;
	v1 =	vshll.u32 v0, $0x1;
	v2 =	vmov v0  }
.Ltmp0:
0x18: {  	v0 =	vld [tilespmem:s20+$0x0];
	v3 =	vand.u32 $0xFFFFE000, v2;
	v1 =	vand.u32 $0x1FFE, v1;
	v4 =	vshrl.u32 v2, $0xC;
	(pc) =	sbr.rel @p0 .LBB2_3-.Ltmp0, $4  }
0x19: {  	v1 =	vor.u32 v3, v1;
	v3 =	vand.u32 $0x1, v4  }
0x1a: {  	vm0 =	vgt.s32 v2, $0xF3FFF;
	v1 =	vor.u32 v3, v1  }
0x1b: {  	v1 =	vsel vm0, v2, v1  }
0x1c: {  	[tilespmem:s18+$0x400] =	vst v1;
	s18 =	smov.u32 s20  }
0x1d: {  	v1 =	vshll.u32 v0, $0x1  }
0x1e: {  	v2 =	vand.u32 $0xFFFFE000, v0;
	v3 =	vshrl.u32 v0, $0xC;
	v1 =	vand.u32 $0x1FFE, v1  }
0x1f: {  	v63 =	vand.u32 $0x1, v3;
	v1 =	vor.u32 v2, v1  }
0x20: {  	vm0 =	vgt.s32 v0, $0xF3FFF;
	v1 =	vor.u32 v63, v1  }
0x21: {  	s16 =	sshll.u32 s16, $0xD;
	s17 =	sshll.u32 s17, $0x4;
	v0 =	vsel vm0, v0, v1  }
0x22: {  	s15 =	sshll.u32 s15, $0x3;
	s14 =	sadd.s32 $0x1, s14;
	s16 =	sand.u32 $0xFFC0000, s16;
	[tilespmem:s18+$0x400] =	vst v0  }
0x23: {  	[tilespmem:s10], [sflag:$0x1] =	stream.indirect.gather [hbm4b:s4+s9], $0x40, s9, s9, $0xb8;
	[tilespmem:$0x10800] =	vst v63  }
0x24: {  	s15 =	sand.u32 $0x8, s15;
	s16 =	sadd.s32 s5, s16;
	_ =	swait.ge [sflag:s11], $0x10000  }
0x25: {  	p0 =	sne.s32 s14, $0x19;
	s16 =	sadd.s32 s17, s16;
	[sflag:s11] =	ssyncset.done $0x0  }
.Ltmp1:
0x26: {  	s15 =	sadd.s32 s15, s16;
	[sflag:s11] =	ssyncadd.s32 $0xFFFF0000;
	(pc) =	sbr.rel @p0 .LBB2_2-.Ltmp1, $4  }
0x27: {  	[hbm4b:s15+s12] =	stream.strided.scatter [tilespmem:s10], [sflag:$0x2], $0x10000, s13, s12, $0x38;
	[tilespmem:$0x10800] =	vst v63  }
0x28: {  	_ =	swait.ge [sflag:s8], $0x10000  }
0x29: {  	[sflag:s8] =	ssyncset.done $0x0  }
0x2a: {  	[sflag:s8] =	ssyncadd.s32 $0xFFFF0000  }
0x2b: {  	s3 =	sadd.s32 $0x1, s3  }
0x2c: {  	p0 =	sne.s32 s3, s7  }
.Ltmp2:
0x2d: {  	_ = 	snop;
	(pc) =	sbr.rel @p0 .LBB2_1-.Ltmp2, $1  }
0x2e: {  	_ =	sdelay $0x3  }
0x2f: {  	_ =	sfence.sel $0x180000  }
0x30: {  	[bflag:$0x0] =	sbarrier.arrive $0xFFFF  }
0x31: {  	p0 =	sne.s32 s2, $0x0;
	_ =	strace $0x90000047  }
0x32: {  	s0 =	sadd.s32 @!p0 $0x100000, s0;
	[bflag:$0x2] =	sbarrier.arrive $0xFFFF  }
0x33: {  	[sflag:s0] =	ssyncadd.tile.s32 @!p0 $0x1;
	_ =	shalt  }
.Lfunc_end2:
_tile_overlayer_lowered:
.L_overlay_start_2:
0x34: {  	(tag) =	ssettag $0x2  }
0x35: {  	s0 =	rddreg [dreg:$0x0];
	s2 =	stileid.u32  }
0x36: {  	s1 =	rddreg [dreg:$0x1];
	p0 =	sne.s32 s2, $0x0  }
0x37: {  	s3 =	rddreg [dreg:$0x2];
	[bflag:$0x3] =	sbarrier.arrive $0xFFFF;
	s2 =	simm.s32 @!p0 $0x1C02  }
0x38: {  	[timem:s3], [sflag:s2] =	dma.local @!p0 [hbm:s0], s1  }
0x39: {  	s0 =	simm.s32 @!p0 $0x2  }
0x3a: {  	_ =	swait.ge @!p0 [sflag:s0], s1  }
0x3b: {  	s1 =	ssub.s32 @!p0 $0x0, s1;
	[sflag:s0] =	ssyncset.done @!p0 $0x0  }
0x3c: {  	[sflag:s0] =	ssyncadd.s32 @!p0 s1  }
0x3d: {  	[bflag:$0x3] =	sbarrier.arrive $0xFFFF  }
0x3e: {  	_ =	shalt  }

</sc_bundles>
